<compile_context>
chip_gen: v7x
topology: tpu7x:2x2x1
jax: 0.10.2.dev20260603
libtpu: 0.0.44.dev20260713+nightly
codegen_flags: <defaults>
</compile_context>

<pallas_src>
import dataclasses
import functools

import jax
import jax.numpy as jnp
from jax import lax
from jax.experimental import pallas as pl
from jax.experimental.pallas import tpu as pltpu
from jax.experimental.pallas import tpu_sc as plsc

_SC_CP = pltpu.CompilerParams()
if "needs_layout_passes" in pltpu.CompilerParams.__dataclass_fields__:
    _SC_CP = dataclasses.replace(_SC_CP, needs_layout_passes=False)

N = 10000
E = 320000
D = 128
H = 128
C = 40

NC = 2
NS = 16
NW = NC * NS
CHUNK = 128
CHUNKS_PER_TILE = 80
GROUP = 8
E_TILE = CHUNK * CHUNKS_PER_TILE
E_PAD = E_TILE * NW
N_CHUNKS = E_PAD // CHUNK
CC0 = 152
CC1 = 160 - CC0
N_PAD = 10240
ROWS_PER_TILE = N_PAD // NS


def _sc_deg_body(dst_hbm, out_hbm, dst_v, hist_v, sem):
    c = lax.axis_index("c")
    s = lax.axis_index("s")
    wid = c * NS + s
    pltpu.async_copy(dst_hbm.at[pl.ds(wid * E_TILE, E_TILE)], dst_v, sem).wait()

    zero16 = jnp.zeros((16,), jnp.float32)
    ones16 = jnp.ones((16,), jnp.float32)

    @pl.loop(0, N_PAD // 16)
    def _(i):
        hist_v[pl.ds(i * 16, 16)] = zero16

    @pl.loop(0, E_TILE // 16)
    def _(i):
        idx = dst_v[pl.ds(i * 16, 16)]
        plsc.addupdate_scatter(hist_v, [idx], ones16)

    pltpu.async_copy(hist_v, out_hbm.at[wid], sem).wait()


@jax.jit
def _sc_degree(dst_flat):
    kern = pl.kernel(
        _sc_deg_body,
        out_type=jax.ShapeDtypeStruct((NW, N_PAD), jnp.float32),
        mesh=plsc.VectorSubcoreMesh(core_axis_name="c", subcore_axis_name="s"),
        scratch_types=[
            pltpu.VMEM((E_TILE,), jnp.int32),
            pltpu.VMEM((N_PAD,), jnp.float32),
            pltpu.SemaphoreType.DMA,
        ],
        compiler_params=_SC_CP,
    )
    return kern(dst_flat)


def _edge_pass(y_hbm, src_hbm, dst_hbm, zeros_hbm, out_hbm,
               acc, src_v, dst_v, b0, b1, s0, s1, s, rbase, base, cc,
               zero_local):
    if zero_local:
        zero16 = jnp.zeros((16,), jnp.float32)

        @pl.loop(0, CHUNK)
        def _(r):
            @pl.loop(0, H // 16)
            def _(l):
                b0[r, pl.ds(l * 16, 16)] = zero16

        @pl.loop(0, ROWS_PER_TILE // CHUNK)
        def _(i):
            pltpu.sync_copy(b0, acc.at[pl.ds(rbase + i * CHUNK, CHUNK)])
    else:
        pltpu.async_copy(zeros_hbm.at[pl.ds(rbase, ROWS_PER_TILE)],
                         acc.at[pl.ds(rbase, ROWS_PER_TILE)], s0).wait()
    plsc.subcore_barrier()

    @pl.loop(0, cc // GROUP)
    def _(g):
        gbase = base + g * GROUP
        pltpu.sync_copy(src_hbm.at[pl.ds(gbase, GROUP)], src_v)
        pltpu.sync_copy(dst_hbm.at[pl.ds(gbase, GROUP)], dst_v)

        @pl.loop(0, GROUP, step=2)
        def _(k):
            cpa = pltpu.async_copy(y_hbm.at[src_v.at[k]], b0, s0)
            cpb = pltpu.async_copy(y_hbm.at[src_v.at[k + 1]], b1, s1)
            cpa.wait()
            pltpu.sync_copy(b0, acc.at[dst_v.at[k]], add=True)
            cpb.wait()
            pltpu.sync_copy(b1, acc.at[dst_v.at[k + 1]], add=True)

    plsc.subcore_barrier()
    cps = []
    for i in range(ROWS_PER_TILE // CHUNK):
        r0 = rbase + i * CHUNK
        cps.append(pltpu.async_copy(acc.at[pl.ds(r0, CHUNK)],
                                    out_hbm.at[pl.ds(r0, CHUNK)],
                                    s1 if i % 2 else s0))
    for cp in cps:
        cp.wait()


def _sc_scatter_body(y_hbm, src_hbm, dst_hbm, zeros_hbm, out_hbm,
                     acc, src_v, dst_v, b0, b1, s0, s1):
    c = lax.axis_index("c")
    s = lax.axis_index("s")
    rbase = s * ROWS_PER_TILE

    @pl.when(c == 0)
    def _():
        _edge_pass(y_hbm, src_hbm, dst_hbm, zeros_hbm, out_hbm.at[0],
                   acc, src_v, dst_v, b0, b1, s0, s1, s, rbase,
                   s * CC0, CC0, False)

    @pl.when(c == 1)
    def _():
        _edge_pass(y_hbm, src_hbm, dst_hbm, zeros_hbm, out_hbm.at[1],
                   acc, src_v, dst_v, b0, b1, s0, s1, s, rbase,
                   NS * CC0 + s * CC1, CC1, True)


def _make_sc_scatter():
    return pl.kernel(
        _sc_scatter_body,
        out_type=jax.ShapeDtypeStruct((NC, N_PAD, H), jnp.float32),
        mesh=plsc.VectorSubcoreMesh(core_axis_name="c", subcore_axis_name="s"),
        scratch_types=[
            pltpu.VMEM_SHARED((N_PAD, H), jnp.float32),
            pltpu.VMEM((GROUP, CHUNK), jnp.int32),
            pltpu.VMEM((GROUP, CHUNK), jnp.int32),
            pltpu.VMEM((CHUNK, H), jnp.float32),
            pltpu.VMEM((CHUNK, H), jnp.float32),
            pltpu.SemaphoreType.DMA,
            pltpu.SemaphoreType.DMA,
        ],
    )


_BLK = 1280
_GRID = N_PAD // _BLK

_DOT = functools.partial(
    lax.dot_general,
    dimension_numbers=(((1,), (0,)), ((), ())),
    precision=lax.Precision.HIGHEST,
    preferred_element_type=jnp.float32,
)


def _tc_first_body(part_ref, x_ref, w_ref, y_ref, dinv_ref):
    deg = jnp.sum(part_ref[...], axis=0) + 1.0
    dinv = lax.rsqrt(deg)
    y_ref[...] = _DOT(x_ref[...], w_ref[...]) * dinv[:, None]
    dinv_ref[...] = dinv[:, None]


def _tc_first(partials, x, W0):
    return pl.pallas_call(
        _tc_first_body,
        grid=(_GRID,),
        in_specs=[
            pl.BlockSpec((NW, _BLK), lambda j: (0, j)),
            pl.BlockSpec((_BLK, D), lambda j: (j, 0)),
            pl.BlockSpec((D, H), lambda j: (0, 0)),
        ],
        out_specs=[
            pl.BlockSpec((_BLK, H), lambda j: (j, 0)),
            pl.BlockSpec((_BLK, 1), lambda j: (j, 0)),
        ],
        out_shape=[
            jax.ShapeDtypeStruct((N_PAD, H), jnp.float32),
            jax.ShapeDtypeStruct((N_PAD, 1), jnp.float32),
        ],
    )(partials, x, W0)


_AGG_IN_SPECS = [
    pl.BlockSpec((NC, _BLK, H), lambda j: (0, j, 0)),
    pl.BlockSpec((_BLK, H), lambda j: (j, 0)),
    pl.BlockSpec((_BLK, 1), lambda j: (j, 0)),
    pl.BlockSpec((1, H), lambda j: (0, 0)),
    pl.BlockSpec((H, H), lambda j: (0, 0)),
]


def _tc_mid_body(agg_ref, y_ref, dinv_ref, b_ref, w_ref, ynext_ref):
    a = agg_ref[0] + agg_ref[1] + y_ref[...]
    h = jnp.maximum(a * dinv_ref[...] + b_ref[...], 0.0)
    ynext_ref[...] = _DOT(h, w_ref[...]) * dinv_ref[...]


def _tc_mid(agg, y, dinv, b, Wn):
    return pl.pallas_call(
        _tc_mid_body,
        grid=(_GRID,),
        in_specs=_AGG_IN_SPECS,
        out_specs=pl.BlockSpec((_BLK, H), lambda j: (j, 0)),
        out_shape=jax.ShapeDtypeStruct((N_PAD, H), jnp.float32),
    )(agg, y, dinv, b, Wn)


def _tc_final_body(agg_ref, y_ref, dinv_ref, b_ref, wl_ref, bl_ref, out_ref):
    a = agg_ref[0] + agg_ref[1] + y_ref[...]
    h = jnp.maximum(a * dinv_ref[...] + b_ref[...], 0.0)
    out_ref[...] = _DOT(h, wl_ref[...]) + bl_ref[...]


def _tc_final(agg, y, dinv, b, Wl_pad, bl_pad):
    return pl.pallas_call(
        _tc_final_body,
        grid=(_GRID,),
        in_specs=_AGG_IN_SPECS + [pl.BlockSpec((1, H), lambda j: (0, 0))],
        out_specs=pl.BlockSpec((_BLK, H), lambda j: (j, 0)),
        out_shape=jax.ShapeDtypeStruct((N_PAD, H), jnp.float32),
    )(agg, y, dinv, b, Wl_pad, bl_pad)


def kernel(x, edge_index, W0, b0, W1, b1, W2, b2, Wl, bl):
    src = edge_index[0]
    dst = edge_index[1]
    pad = E_PAD - E
    src_p = jnp.concatenate([src, jnp.zeros((pad,), jnp.int32)])
    dst_p = jnp.concatenate([dst, jnp.full((pad,), N, jnp.int32)])
    src3 = src_p.reshape(N_CHUNKS, CHUNK)
    dst3 = dst_p.reshape(N_CHUNKS, CHUNK)
    zeros_hbm = jnp.zeros((N_PAD, H), jnp.float32)
    x_pad = jnp.pad(x, ((0, N_PAD - N), (0, 0)))

    partials = _sc_degree(dst_p)

    y0, dinv = _tc_first(partials, x_pad, W0)

    sc_scatter = _make_sc_scatter()
    agg0 = sc_scatter(y0, src3, dst3, zeros_hbm)
    y1 = _tc_mid(agg0, y0, dinv, b0.reshape(1, H), W1)
    agg1 = sc_scatter(y1, src3, dst3, zeros_hbm)
    y2 = _tc_mid(agg1, y1, dinv, b1.reshape(1, H), W2)
    agg2 = sc_scatter(y2, src3, dst3, zeros_hbm)

    Wl_pad = jnp.pad(Wl, ((0, 0), (0, H - C)))
    bl_pad = jnp.pad(bl, ((0, H - C))).reshape(1, H)
    out = _tc_final(agg2, y2, dinv, b2.reshape(1, H), Wl_pad, bl_pad)
    return out[:N, :C]

# --- scband reference (transcript-rebuilt; emitter-appended) ---
"""Pipeline reference for scband-gpsnode-classifier-14525579395562 (READ-ONLY COPY).

The authoritative reference and input builder live on the scoring server;
editing this copy changes nothing except your own understanding.
"""

import jax, jax.numpy as jnp
import numpy as np

N = 10000
E = 320000
D = 128
H = 128
C = 40


def setup_inputs(seed: int = 0) -> dict:
    key = jax.random.key(seed)
    ks = jax.random.split(key, 12)
    x = jax.random.normal(ks[0], (N, D), dtype=jnp.float32)
    edge_index = jax.random.randint(ks[1], (2, E), 0, N, dtype=jnp.int32)
    def glorot(k, fan_in, fan_out):
        lim = np.sqrt(6.0 / (fan_in + fan_out))
        return jax.random.uniform(k, (fan_in, fan_out), dtype=jnp.float32, minval=-lim, maxval=lim)
    W0 = glorot(ks[2], D, H)
    b0 = jnp.zeros((H,), dtype=jnp.float32)
    W1 = glorot(ks[3], H, H)
    b1 = jnp.zeros((H,), dtype=jnp.float32)
    W2 = glorot(ks[4], H, H)
    b2 = jnp.zeros((H,), dtype=jnp.float32)
    Wl = glorot(ks[5], H, C)
    bl = jnp.zeros((C,), dtype=jnp.float32)
    return {"x": x, "edge_index": edge_index, "W0": W0, "b0": b0, "W1": W1, "b1": b1, "W2": W2, "b2": b2, "Wl": Wl, "bl": bl}


def _gcn_conv(x, src, dst, W, b):
    # GCNConv: x' = D^{-1/2} (A + I) D^{-1/2} X W + b  (self-loops added)
    n = x.shape[0]
    xw = x @ W
    loop = jnp.arange(n, dtype=src.dtype)
    s = jnp.concatenate([src, loop])
    d = jnp.concatenate([dst, loop])
    deg = jnp.zeros((n,), dtype=xw.dtype).at[d].add(1.0)
    dinv = jnp.where(deg > 0, deg ** -0.5, 0.0)
    norm = dinv[s] * dinv[d]
    msg = xw[s] * norm[:, None]
    out = jnp.zeros((n, xw.shape[1]), dtype=xw.dtype).at[d].add(msg)
    return out + b


def reference(x, edge_index, W0, b0, W1, b1, W2, b2, Wl, bl):
    src = edge_index[0]
    dst = edge_index[1]
    h = _gcn_conv(x, src, dst, W0, b0)
    h = jax.nn.relu(h)
    h = _gcn_conv(h, src, dst, W1, b1)
    h = jax.nn.relu(h)
    h = _gcn_conv(h, src, dst, W2, b2)
    h = jax.nn.relu(h)
    out = h @ Wl + bl
    return out

if __name__ == "__main__":
    import jax
    _d = setup_inputs()
    print(jax.jit(kernel)(*tuple(_d.values())))

</pallas_src>

<mosaic_0001>
#map = affine_map<(d0, d1) -> (0)>
#map1 = affine_map<(d0, d1) -> (0, 0)>
module attributes {stable_mosaic.version = 14 : i64} {
  func.func @_sc_deg_body(%arg0: i32, %arg1: i32, %arg2: memref<327680xi32, #tpu.memory_space<hbm>>, %arg3: memref<32x10240xf32, #tpu.memory_space<hbm>>, %arg4: memref<10240xi32, #tpu.memory_space<vmem>>, %arg5: memref<10240xf32, #tpu.memory_space<vmem>>, %arg6: memref<!tpu.dma_semaphore, #tpu.memory_space<semaphore_mem>>) attributes {dimension_semantics = [#tpu.dimension_semantics<core_parallel>, #tpu.dimension_semantics<subcore_parallel>], iteration_bounds = array<i64: 2, 16>, scalar_prefetch = 0 : i64, scratch_operands = 3 : i64, tpu.core_type = #tpu.core_type<sc_vector_subcore>, window_params = [{transform_indices = #map}, {transform_indices = #map1}]} {
    %mul3A = arith.constant 16 : i32
    %mul3A_0 = arith.muli %arg0, %mul3A : i32
    %add3A = arith.addi %mul3A_0, %arg1 : i32
    %mul3A_1 = arith.constant 10240 : i32
    %mul3A_2 = arith.muli %add3A, %mul3A_1 : i32
    %dma_start3A = tpu.memref_slice %arg2[%mul3A_2] : memref<327680xi32, #tpu.memory_space<hbm>> -> memref<10240xi32, #tpu.memory_space<hbm>>
    %dma_start3A_3 = tpu.memref_slice %arg2[%mul3A_2] : memref<327680xi32, #tpu.memory_space<hbm>> -> memref<10240xi32, #tpu.memory_space<hbm>>
    tpu.enqueue_dma source(%dma_start3A_3 : memref<10240xi32, #tpu.memory_space<hbm>>) target(%arg4 : memref<10240xi32, #tpu.memory_space<vmem>>) target_semaphore(%arg6 : memref<!tpu.dma_semaphore, #tpu.memory_space<semaphore_mem>>)
    %dma_wait3A = tpu.memref_slice %arg2[%mul3A_2] : memref<327680xi32, #tpu.memory_space<hbm>> -> memref<10240xi32, #tpu.memory_space<hbm>>
    %dma_wait3A_4 = tpu.memref_slice %arg2[%mul3A_2] : memref<327680xi32, #tpu.memory_space<hbm>> -> memref<10240xi32, #tpu.memory_space<hbm>>
    tpu.wait_dma2 semaphore(%arg6 : memref<!tpu.dma_semaphore, #tpu.memory_space<semaphore_mem>>) src(%dma_wait3A_4 : memref<10240xi32, #tpu.memory_space<hbm>>) dst(%arg4 : memref<10240xi32, #tpu.memory_space<vmem>>)
    %broadcast_in_dim3A = arith.constant 0.000000e+00 : f32
    %broadcast_in_dim3A_5 = vector.broadcast %broadcast_in_dim3A : f32 to vector<16xf32>
    %broadcast_in_dim3A_6 = arith.constant 1.000000e+00 : f32
    %broadcast_in_dim3A_7 = vector.broadcast %broadcast_in_dim3A_6 : f32 to vector<16xf32>
    %scan3A = arith.constant 0 : i32
    %scan3A_8 = arith.constant 640 : i32
    %scan3A_9 = arith.addi %scan3A, %scan3A_8 : i32
    %scan3A_10 = arith.constant 1 : i32
    scf.for %scan3A_29 = %scan3A to %scan3A_9 step %scan3A_10  : i32 {
      %mul3A_30 = arith.constant 1 : i32
      %mul3A_31 = arith.muli %scan3A_29, %mul3A_30 : i32
      %add3A_32 = arith.constant 0 : i32
      %add3A_33 = arith.addi %add3A_32, %mul3A_31 : i32
      %mul3A_34 = arith.constant 16 : i32
      %mul3A_35 = arith.muli %add3A_33, %mul3A_34 : i32
      %swap3A = arith.index_cast %mul3A_35 : i32 to index
      %swap3A_36 = tpu.vector_load %arg5[%swap3A] {strides = array<i32>} : memref<10240xf32, #tpu.memory_space<vmem>>, vector<16xf32>,
      tpu.vector_store %arg5[%swap3A], %broadcast_in_dim3A_5 {strides = array<i32>} : memref<10240xf32, #tpu.memory_space<vmem>>, vector<16xf32>,
    }
    %scan3A_11 = arith.constant 640 : i32
    %scan3A_12 = arith.constant 0 : i32
    %scan3A_13 = arith.constant 640 : i32
    %scan3A_14 = arith.addi %scan3A_12, %scan3A_13 : i32
    %scan3A_15 = arith.constant 1 : i32
    scf.for %scan3A_29 = %scan3A_12 to %scan3A_14 step %scan3A_15  : i32 {
      %mul3A_30 = arith.constant 1 : i32
      %mul3A_31 = arith.muli %scan3A_29, %mul3A_30 : i32
      %add3A_32 = arith.constant 0 : i32
      %add3A_33 = arith.addi %add3A_32, %mul3A_31 : i32
      %mul3A_34 = arith.constant 16 : i32
      %mul3A_35 = arith.muli %add3A_33, %mul3A_34 : i32
      %get3A = arith.index_cast %mul3A_35 : i32 to index
      %get3A_36 = tpu.vector_load %arg4[%get3A] {strides = array<i32>} : memref<10240xi32, #tpu.memory_space<vmem>>, vector<16xi32>,
      tpu.vector_store_idx %arg5[%get3A_36], %broadcast_in_dim3A_7 {add = true} : memref<10240xf32, #tpu.memory_space<vmem>>[vector<16xi32>], vector<16xf32>,
    }
    %scan3A_16 = arith.constant 640 : i32
    %dma_start3A_17 = arith.constant 0 : i32
    %dma_start3A_18 = tpu.memref_slice %arg3[%add3A, %dma_start3A_17] : memref<32x10240xf32, #tpu.memory_space<hbm>> -> memref<1x10240xf32, #tpu.memory_space<hbm>>
    %dma_start3A_19 = tpu.memref_squeeze %dma_start3A_18 : memref<1x10240xf32, #tpu.memory_space<hbm>> -> memref<10240xf32, #tpu.memory_space<hbm>>
    %dma_start3A_20 = arith.constant 0 : i32
    %dma_start3A_21 = tpu.memref_slice %arg3[%add3A, %dma_start3A_20] : memref<32x10240xf32, #tpu.memory_space<hbm>> -> memref<1x10240xf32, #tpu.memory_space<hbm>>
    %dma_start3A_22 = tpu.memref_squeeze %dma_start3A_21 : memref<1x10240xf32, #tpu.memory_space<hbm>> -> memref<10240xf32, #tpu.memory_space<hbm>>
    tpu.enqueue_dma source(%arg5 : memref<10240xf32, #tpu.memory_space<vmem>>) target(%dma_start3A_22 : memref<10240xf32, #tpu.memory_space<hbm>>) target_semaphore(%arg6 : memref<!tpu.dma_semaphore, #tpu.memory_space<semaphore_mem>>)
    %dma_wait3A_23 = arith.constant 0 : i32
    %dma_wait3A_24 = tpu.memref_slice %arg3[%add3A, %dma_wait3A_23] : memref<32x10240xf32, #tpu.memory_space<hbm>> -> memref<1x10240xf32, #tpu.memory_space<hbm>>
    %dma_wait3A_25 = tpu.memref_squeeze %dma_wait3A_24 : memref<1x10240xf32, #tpu.memory_space<hbm>> -> memref<10240xf32, #tpu.memory_space<hbm>>
    %dma_wait3A_26 = arith.constant 0 : i32
    %dma_wait3A_27 = tpu.memref_slice %arg3[%add3A, %dma_wait3A_26] : memref<32x10240xf32, #tpu.memory_space<hbm>> -> memref<1x10240xf32, #tpu.memory_space<hbm>>
    %dma_wait3A_28 = tpu.memref_squeeze %dma_wait3A_27 : memref<1x10240xf32, #tpu.memory_space<hbm>> -> memref<10240xf32, #tpu.memory_space<hbm>>
    tpu.wait_dma2 semaphore(%arg6 : memref<!tpu.dma_semaphore, #tpu.memory_space<semaphore_mem>>) src(%arg5 : memref<10240xf32, #tpu.memory_space<vmem>>) dst(%dma_wait3A_28 : memref<10240xf32, #tpu.memory_space<hbm>>)
    return
  }
}

</mosaic_0001>

<sc_bundles>
// kernel: _sc_degree.3.cloned.1.call-start
scs
__scs_entry_jumppad:
0x0: {  	(pc) =	sbr.rel $0x88, $3  }
0x1: {  	(tag) =	ssettag $0x0;
	lr =	simm.s32 $0x1  }
0x2: {  	[smem:$0x3FA0] =	sst lr;
	_ =	strace $0xD0000000  }
0x3: {  	_ = 	snop  }
0x4: {  	_ = 	snop  }
0x5: {  	_ = 	snop  }
0x6: {  	_ = 	snop  }
0x7: {  	_ = 	snop  }
__scs_overlays_trampoline_lowered:
0x8: {  	[smem:$0x3FAF] =	sst s0  }
0x9: {  	[smem:$0x3FB0] =	sst s1  }
0xa: {  	[smem:$0x3FB1] =	sst s2  }
0xb: {  	[smem:$0x3FB2] =	sst s3  }
0xc: {  	[smem:$0x3FB3] =	sst s4  }
0xd: {  	[smem:$0x3FB4] =	sst s5  }
0xe: {  	[smem:$0x3FB5] =	sst s6  }
0xf: {  	[smem:$0x3FB6] =	sst s7  }
0x10: {  	[smem:$0x3FB7] =	sst s8  }
0x11: {  	[smem:$0x3FB8] =	sst s9;
	s0 =	simm.s32 @!p0 $0x0  }
0x12: {  	s1 =	sld [smem:$0x3F9E];
	s0 =	simm.s32 @p0 $0x1  }
0x13: {  	[smem:$0x3FB9] =	sst s0;
	s0 =	simm.s32 @!p1 $0x0  }
0x14: {  	s2 =	sld [smem:$0x3F9D];
	s0 =	simm.s32 @p1 $0x1  }
0x15: {  	[smem:$0x3FBA] =	sst s0;
	s0 =	simm.s32 @!p2 $0x0  }
0x16: {  	s3 =	sld [smem:$0x3FDB];
	s0 =	simm.s32 @p2 $0x1  }
0x17: {  	s4 =	simm.s32 $0x1BF5;
	[smem:$0x3FBC] =	sst s0  }
0x18: {  	s0 =	sld [smem:$0x3F9F];
	_ =	swait.ge [sflag:s4], $0x0  }
0x19: {  	s7 =	sld [smem:$0x3FA0]  }
0x1a: {  	s8 =	sadd.s32 $0xFFFFE003, lr  }
0x1b: {  	s9 =	sadd.s32 $0xFFFFFEF7, lr;
	s5 =	simm.s32 $0xFFFFFFFF;
	p2 =	slt.u32 s8, $0xFFFFF086  }
0x1c: {  	p1 =	slt.u32 s9, $0xF7A;
	s5 =	simm.s32 @!p2 $0x0  }
0x1d: {  	s5 =	simm.s32 @p1 $0x1;
	p0 =	seq.s32 s7, s2  }
0x1e: {  	s7 =	smul.u32 @!p0 $0xF7A, s2;
	p2 =	seq.s32 @!p0 s5, $0x0  }
0x1f: {  	s9 =	smul.u32 $0xF7A, s1;
	s8 =	simm.s32 @!p0 $0x1BF5;
	p2 =	por !p2, p0  }
0x20: {  	[sflag:s8] =	ssyncset.s32 @!p0 $0xFFFFF086;
	s6 =	sadd.s32 @!p0 s3, s7;
	s7 =	simm.s32 @!p0 $0x108  }
0x21: {  	s3 =	sadd.s32 s3, s9;
	s6 =	sadd.s32 @!p0 $0x88, s6;
	s7 =	simm.s32 @p2 $0x1082  }
0x22: {  	[simem:s7], [sflag:s8] =	dma.local @!p0 [hbm:s6], $0xF7A  }
0x23: {  	s9 =	sor.u32 $0xD0000000, s2;
	s6 =	simm.s32 $0x108;
	_ =	swait.ge @!p0 [sflag:s8], $0x0  }
0x24: {  	s3 =	sadd.s32 $0x88, s3;
	s6 =	simm.s32 @!p1 $0x1082;
	[sflag:s4] =	ssyncset.s32 $0xFFFFF086  }
0x25: {  	[simem:s6], [sflag:s4] =	dma.local [hbm:s3], $0xF7A  }
0x26: {  	[smem:$0x3FA0] =	sst s1;
	(tag) =	ssettag s2;
	_ =	strace s9  }
0x27: {  	s1 =	sld [smem:$0x3FB0]  }
0x28: {  	s2 =	sld [smem:$0x3FB1]  }
0x29: {  	s4 =	sld [smem:$0x3FB3]  }
0x2a: {  	p0 =	seq.s32 s5, $0x0;
	s5 =	sld [smem:$0x3FB4]  }
0x2b: {  	s6 =	sld [smem:$0x3FB5]  }
0x2c: {  	s7 =	sld [smem:$0x3FB6]  }
0x2d: {  	s3 =	simm.s32 $0x108;
	s8 =	sld [smem:$0x3FB7]  }
0x2e: {  	s3 =	simm.s32 @!p0 $0x1082;
	s9 =	sld [smem:$0x3FB8]  }
0x2f: {  	lr =	sadd.s32 s0, s3;
	s0 =	sld [smem:$0x3FAF]  }
0x30: {  	s3 =	sld [smem:$0x3FB2]  }
0x31: {  	[smem:$0x3FBB] =	sst s10  }
0x32: {  	s10 =	sld [smem:$0x3FB9];
	_ =	sdelay $0x3  }
0x33: {  	p0 =	seq.s32 s10, $0x1;
	s10 =	sld [smem:$0x3FBB];
	_ =	sdelay $0x3  }
0x34: {  	[smem:$0x3FBB] =	sst s10  }
0x35: {  	s10 =	sld [smem:$0x3FBA];
	_ =	sdelay $0x3  }
0x36: {  	p1 =	seq.s32 s10, $0x1;
	s10 =	sld [smem:$0x3FBB];
	_ =	sdelay $0x3  }
0x37: {  	[smem:$0x3FBB] =	sst s10  }
0x38: {  	s10 =	sld [smem:$0x3FBC]  }
0x39: {  	_ = 	snop;
	(pc) =	sbr.ind lr, $3  }
0x3a: {  	_ = 	snop  }
0x3b: {  	_ = 	snop  }
0x3c: {  	p2 =	seq.s32 s10, $0x1;
	s10 =	sld [smem:$0x3FBB]  }
0x3d: {  	_ =	shalt  }
0x3e: {  	_ =	shalt  }
0x3f: {  	_ =	shalt  }
0x40: {  	_ =	shalt  }
0x41: {  	_ =	shalt  }
0x42: {  	_ =	shalt  }
0x43: {  	_ =	shalt  }
0x44: {  	_ =	shalt  }
0x45: {  	_ =	shalt  }
0x46: {  	_ =	shalt  }
0x47: {  	_ =	shalt  }
0x48: {  	_ =	shalt  }
0x49: {  	_ =	shalt  }
0x4a: {  	_ =	shalt  }
0x4b: {  	_ =	shalt  }
0x4c: {  	_ =	shalt  }
0x4d: {  	_ =	shalt  }
0x4e: {  	_ =	shalt  }
0x4f: {  	_ =	shalt  }
0x50: {  	_ =	shalt  }
0x51: {  	_ =	shalt  }
0x52: {  	_ =	shalt  }
0x53: {  	_ =	shalt  }
0x54: {  	_ =	shalt  }
0x55: {  	_ =	shalt  }
0x56: {  	_ =	shalt  }
0x57: {  	_ =	shalt  }
0x58: {  	_ =	shalt  }
0x59: {  	_ =	shalt  }
0x5a: {  	_ =	shalt  }
0x5b: {  	_ =	shalt  }
0x5c: {  	_ =	shalt  }
0x5d: {  	_ =	shalt  }
0x5e: {  	_ =	shalt  }
0x5f: {  	_ =	shalt  }
0x60: {  	_ =	shalt  }
0x61: {  	_ =	shalt  }
0x62: {  	_ =	shalt  }
0x63: {  	_ =	shalt  }
0x64: {  	_ =	shalt  }
0x65: {  	_ =	shalt  }
0x66: {  	_ =	shalt  }
0x67: {  	_ =	shalt  }
0x68: {  	_ =	shalt  }
0x69: {  	_ =	shalt  }
0x6a: {  	_ =	shalt  }
0x6b: {  	_ =	shalt  }
0x6c: {  	_ =	shalt  }
0x6d: {  	_ =	shalt  }
0x6e: {  	_ =	shalt  }
0x6f: {  	_ =	shalt  }
0x70: {  	_ =	shalt  }
0x71: {  	_ =	shalt  }
0x72: {  	_ =	shalt  }
0x73: {  	_ =	shalt  }
0x74: {  	_ =	shalt  }
0x75: {  	_ =	shalt  }
0x76: {  	_ =	shalt  }
0x77: {  	_ =	shalt  }
0x78: {  	_ =	shalt  }
0x79: {  	_ =	shalt  }
0x7a: {  	_ =	shalt  }
0x7b: {  	_ =	shalt  }
0x7c: {  	_ =	shalt  }
0x7d: {  	_ =	shalt  }
0x7e: {  	_ =	shalt  }
0x7f: {  	_ =	shalt  }
0x80: {  	_ =	shalt  }
0x81: {  	_ =	shalt  }
0x82: {  	_ =	shalt  }
0x83: {  	_ =	shalt  }
0x84: {  	_ =	shalt  }
0x85: {  	_ =	shalt  }
0x86: {  	_ =	shalt  }
0x87: {  	_ =	shalt  }
.Lfunc_end0:
.L_simem_size_0:
called_computation_lowered:
.L_overlay_start_0:
0x88: {  	s2 =	sld [smem:$0x3FD9]  }
0x89: {  	s3 =	sld [smem:$0x3FFE];
	_ =	sdelay $0x1  }
0x8a: {  	s1 =	srdreg.scid  }
0x8b: {  	s0 =	sand.u32 $0x1, s1  }
0x8c: {  	s18 =	sshll.u32 s0, $0xA;
	s2 =	sadd.s32 s3, s2  }
0x8d: {  	s2 =	sadd.s32 s2, s18  }
0x8e: {  	[smem:$0x3FC7] =	sst s2  }
0x8f: {  	_ = 	snop  }
0x90: {  	s2 =	sld [smem:$0x3FC9]  }
0x91: {  	s19 =	sld [smem:$0x3FD0];
	(tm) =	ssettm $0x1  }
0x92: {  	s4 =	sld [smem:$0x3FFB];
	_ =	sdelay $0x3  }
0x93: {  	_ =	strace s4  }
0x94: {  	s4 =	sld [smem:$0x3FFC];
	_ =	sdelay $0x3  }
0x95: {  	_ =	strace s4  }
0x96: {  	s4 =	sld [smem:$0x3FFD];
	_ =	sdelay $0x3  }
0x97: {  	_ =	strace s4  }
0x98: {  	_ =	strace $0x8FFFFFFF  }
0x99: {  	s20 =	sld [smem:$0x3FDB];
	_ =	sdelay $0x1  }
0x9a: {  	s5 =	simm.s32 $_scs_section_size  }
0x9b: {  	s6 =	simm.s32 $_size__tile_overlayer_lowered;
	s7 =	simm.s32 $_tile_overlayer_lowered  }
0x9c: {  	s23 =	simm.s32 $0x1BFF;
	s22 =	sshll.u32 s7, $0x1;
	s4 =	sadd.s32 s5, s20  }
0x9d: {  	s8 =	simm.s32 $0x0;
	s21 =	sshll.u32 s6, $0x1;
	s6 =	sadd.s32 s22, s4  }
0x9e: {  	[timem:s8], [sflag:s23] =	dma.local [hbm:s6], s21  }
0x9f: {  	_ =	swait.ge [sflag:s23], s21  }
0xa0: {  	s5 =	ssub.s32 $0x0, s21;
	[sflag:s23] =	ssyncset.done $0x0  }
0xa1: {  	[sflag:s23] =	ssyncadd.s32 s5;
	_ =	sdelay $0x1  }
0xa2: {  	s24 =	simm.s32 $0x1B8B  }
0xa3: {  	_ =	swait.ge [sflag:s24], $0x1  }
0xa4: {  	[sflag:s24] =	ssyncset.done $0x0  }
0xa5: {  	s25 =	simm.s32 $0x1B8E;
	[sflag:s24] =	ssyncadd.s32 $0xFFFFFFFF  }
0xa6: {  	s26 =	simm.s32 $execute0_lowered;
	[smem:$0x3FD2] =	sst s25  }
0xa7: {  	s5 =	sshll.u32 s26, $0x1;
	_ =	strace $0x80000046;
	[dreg:$0x1] =	wrdreg $0xFFFFFFFF  }
0xa8: {  	s28 =	simm.s32 $_size_execute0_lowered;
	s4 =	sadd.s32 s4, s5;
	[dreg:$0x0] =	wrdreg $0x0  }
0xa9: {  	s5 =	sshll.u32 s28, $0x1;
	[dreg:$0x2] =	wrdreg s4  }
0xaa: {  	[dreg:$0x3] =	wrdreg s5  }
0xab: {  	[dreg:$0x4] =	wrdreg $0xC0  }
0xac: {  	_ =	task [dreg:s8], $0x5FFFF  }
0xad: {  	[dreg:$0x1] =	wrdreg $0xFFFFFFFF  }
0xae: {  	[dreg:$0x0] =	wrdreg $0x60  }
0xaf: {  	[dreg:$0x2] =	wrdreg s2  }
0xb0: {  	[dreg:$0x3] =	wrdreg s19  }
0xb1: {  	[dreg:$0x4] =	wrdreg $0x9  }
0xb2: {  	_ =	task.clear_ibuf [dreg:s8], $0x5FFFF;
	_ =	strace $0x90000046  }
0xb3: {  	s29 =	simm.s32 $0x9;
	_ =	strace $0x80000048  }
0xb4: {  	_ =	swait.ge [sflag:s29], $0x1  }
0xb5: {  	[sflag:s29] =	ssyncadd.s32 $0xFFFFFFFF  }
0xb6: {  	_ =	strace $0x90000048  }
0xb7: {  	_ =	sfence  }
0xb8: {  	s30 =	sld [smem:$0x0];
	_ =	sdelay $0x2  }
0xb9: {  	s31 =	sshll.u32 s1, $0xD;
	s1 =	sshrl.u32 s1, $0x2  }
0xba: {  	s3 =	sand.u32 $0x4000, s31;
	s1 =	sadd.s32 s1, s30  }
0xbb: {  	s0 =	sor.u32 s3, s0;
	s1 =	sshll.u32 s1, $0x11  }
0xbc: {  	s0 =	sor.u32 s1, s0  }
0xbd: {  	s0 =	sadd.s32 $0x8F2B, s0  }
0xbe: {  	[sflag:s0] =	ssyncadd.remote.s32 $0x1  }
0xbf: {  	_ =	sfence.sel $0xFFFF  }
0xc0: {  	[dreg:$0x0] =	wrdreg $0xFFFFFFFF;
	(pc) =	sbr.abs _section_cstart, $3  }
0xc1: {  	[dreg:$0x1] =	wrdreg $0xFFFFFFFF  }
0xc2: {  	_ =	task.clear_ibuf [dreg:s8], $0x2FFFF;
	_ =	strace $0x9FFFFFFF  }
0xc3: {  	(tm) =	ssettm $0x7FFFFFFF  }
tec
execute0_lowered:
.L_overlay_start_1:
0x0: {  	(tag) =	ssettag $0x1  }
0x1: {  	s0 =	srdreg.scid  }
0x2: {  	s3 =	sand.u32 $0x1, s0  }
0x3: {  	s4 =	rddreg [dreg:$0x0];
	s0 =	stileid.u32;
	s1 =	sshll.u32 s3, $0x4  }
0x4: {  	s5 =	rddreg [dreg:$0x1];
	s2 =	simm.s32 $0x0;
	s6 =	sor.u32 s0, s1  }
0x5: {  	s9 =	simm.s32 $0x400;
	s10 =	simm.s32 $0x0;
	s7 =	sshrl.u32 s6, $0x3  }
0x6: {  	[smem:$0x7FF] =	sst s2;
	s8 =	sshll.u32 s0, $0x7;
	s7 =	smul.u32 $0x14000, s7  }
0x7: {  	s3 =	ssub.s32 $0x2, s3;
	s1 =	rddreg [dreg:$0x2];
	s8 =	sand.u32 $0x380, s8  }
0x8: {  	s31 =	sshrl.u32 s3, $0x1;
	s6 =	smul.u32 $0x500, s6;
	s7 =	sor.u32 s8, s7  }
0x9: {  	_ =	strace $0x80000047;
	s8 =	ssub.s32 s3, s31;
	s7 =	sshrl.u32 s7, $0x3  }
0xa: {  	s3 =	sadd.s32 s4, s6;
	s6 =	simm.s32 $0x1;
	s4 =	sadd.s32 s5, s7  }
0xb: {  	v0 =	vimm.f32 $0.0e+00;
	v1 =	vimm.f32 $1.000000000e+00;
	s5 =	smax.u32 s8, $0x1;
	s7 =	simm.s32 $0x2800;
	s8 =	simm.s32 $0x80  }
.LBB2_1:
0xc: {  	[tilespmem:s2], [sflag:$0x1] =	stream.linear.gather [hbm4b:s3+s2], $0x2800, $0x38;
	[tilespmem:$0x5000] =	vst v63  }
0xd: {  	_ =	swait.ge [sflag:s6], $0x2800  }
0xe: {  	[sflag:s6] =	ssyncset.done $0x0  }
0xf: {  	s11 =	simm.s32 $0x0;
	[sflag:s6] =	ssyncadd.s32 $0xFFFFD800  }
.LBB2_2:
0x10: {  	p0 =	sne.s32 s11, $0x9FC0  }
.Ltmp0:
0x11: {  	_ = 	snop;
	(pc) =	sbr.rel @p0 .LBB2_2-.Ltmp0, $3  }
0x12: {  	_ =	sdelay $0x1  }
0x13: {  	s12 =	sshra.s32 s11, $0x2  }
0x14: {  	s11 =	sadd.s32 $0x40, s11;
	[tilespmem:s12+$0x2800] =	vst v0  }
0x15: {  	s12 =	simm.s32 $0x0;
	s11 =	simm.s32 $0x40  }
.LBB2_4:
0x16: {  	p0 =	sne.s32 s11, $0x9FC0;
	v2 =	vld [tilespmem:s12+$0x0];
	_ =	sdelay $0x3  }
.Ltmp1:
0x17: {  	(pc) =	sbr.rel @p0 .LBB2_4-.Ltmp1, $2  }
0x18: {  	_ =	sdelay $0x2  }
0x19: {  	s12 =	sshra.s32 s11, $0x2;
	s11 =	sadd.s32 $0x40, s11;
	[tilespmem:v2+s7+$0x0] =	vst.idx.add.f32.msk $0xffff, v1  }
0x1a: {  	v2 =	vld [tilespmem:s12+$0x0];
	_ =	sdelay $0x5  }
0x1b: {  	s10 =	sadd.s32 $0x1, s10  }
0x1c: {  	p0 =	sne.s32 s10, s5  }
.Ltmp2:
0x1d: {  	[tilespmem:v2+s7+$0x0] =	vst.idx.add.f32.msk $0xffff, v1;
	(pc) =	sbr.rel @p0 .LBB2_1-.Ltmp2, $4  }
0x1e: {  	[hbm4b:s4+s8] =	stream.strided.scatter [tilespmem:s7], [sflag:$0x1], $0x2800, s9, s8, $0x38;
	[tilespmem:$0x5000] =	vst v63  }
0x1f: {  	_ =	swait.ge [sflag:s6], $0x2800  }
0x20: {  	[sflag:s6] =	ssyncset.done $0x0  }
0x21: {  	[sflag:s6] =	ssyncadd.s32 $0xFFFFD800  }
0x22: {  	_ =	sfence.sel $0x180000  }
0x23: {  	[bflag:$0x0] =	sbarrier.arrive $0xFFFF  }
0x24: {  	p0 =	sne.s32 s0, $0x0;
	_ =	strace $0x90000047  }
0x25: {  	s0 =	sadd.s32 @!p0 $0x100000, s1;
	[bflag:$0x2] =	sbarrier.arrive $0xFFFF  }
0x26: {  	[sflag:s0] =	ssyncadd.tile.s32 @!p0 $0x1;
	_ =	shalt  }
.Lfunc_end2:
_tile_overlayer_lowered:
.L_overlay_start_2:
0x27: {  	(tag) =	ssettag $0x2  }
0x28: {  	s0 =	rddreg [dreg:$0x0];
	s2 =	stileid.u32  }
0x29: {  	s1 =	rddreg [dreg:$0x1];
	p0 =	sne.s32 s2, $0x0  }
0x2a: {  	s3 =	rddreg [dreg:$0x2];
	[bflag:$0x3] =	sbarrier.arrive $0xFFFF;
	s2 =	simm.s32 @!p0 $0x1C02  }
0x2b: {  	[timem:s3], [sflag:s2] =	dma.local @!p0 [hbm:s0], s1  }
0x2c: {  	s0 =	simm.s32 @!p0 $0x2  }
0x2d: {  	_ =	swait.ge @!p0 [sflag:s0], s1  }
0x2e: {  	s1 =	ssub.s32 @!p0 $0x0, s1;
	[sflag:s0] =	ssyncset.done @!p0 $0x0  }
0x2f: {  	[sflag:s0] =	ssyncadd.s32 @!p0 s1  }
0x30: {  	[bflag:$0x3] =	sbarrier.arrive $0xFFFF  }
0x31: {  	_ =	shalt  }

</sc_bundles>
